<compile_context>
chip_gen: v7x
topology: tpu7x:2x2x1
jax: 0.10.2.dev20260603
libtpu: 0.0.44.dev20260713+nightly
codegen_flags: <defaults>
</compile_context>

<pallas_src>
import jax
import jax.numpy as jnp
from jax import lax
from jax.experimental import pallas as pl
from jax.experimental.pallas import tpu as pltpu
from jax.experimental.pallas import tpu_sc as plsc

B, N, K, E = 4, 2500, 12, 7500
NW = 32
WPB = NW // B
NP = 2560
CH = NP // WPB
GROUPS = CH // 16


def _sc_loss(oe_hbm, ve_hbm, vg_hbm, out_hbm,
             oe_v, ve_v, vg_v, loss_v, sem):
    c = lax.axis_index("c")
    s = lax.axis_index("s")
    wid = s * 2 + c
    batch = wid // WPB
    sub = lax.rem(wid, WPB)

    cp0 = pltpu.async_copy(oe_hbm.at[batch, 0], oe_v, sem)
    cp1 = pltpu.async_copy(ve_hbm.at[batch, sub], ve_v, sem)
    cp2 = pltpu.async_copy(vg_hbm.at[batch, sub], vg_v, sem)
    cp0.wait()
    cp1.wait()
    cp2.wait()

    gid0 = sub * CH + lax.iota(jnp.int32, 16)

    def one_group(jb):
        g = [plsc.load_gather(oe_v, [ve_v[k, pl.ds(jb, 16)]])
             for k in range(K)]
        while len(g) > 1:
            g = [g[i] + g[i + 1] for i in range(0, len(g) - 1, 2)] + \
                (g[-1:] if len(g) % 2 else [])
        off = g[0] * (1.0 / K)
        d0 = vg_v[0, pl.ds(jb, 16)] - vg_v[3, pl.ds(jb, 16)]
        d1 = vg_v[1, pl.ds(jb, 16)] - vg_v[4, pl.ds(jb, 16)]
        d2 = vg_v[2, pl.ds(jb, 16)] - vg_v[5, pl.ds(jb, 16)]
        a = (d0 * d0 + d1 * d1 + d2 * d2) * (1.0 / 3.0)
        bd = (d0 + d1 + d2) * (2.0 / 3.0)
        contrib = a + off * (bd + off)
        return jnp.where(gid0 + jb < N, contrib, 0.0)

    def pair(p, acc):
        jb = p * 32
        return acc + one_group(jb) + one_group(jb + 16)

    loss16 = lax.fori_loop(0, GROUPS // 2, pair, jnp.zeros((16,), jnp.float32))
    loss_v[...] = loss16
    pltpu.sync_copy(loss_v, out_hbm.at[wid])


@jax.jit
def kernel(out_edges, gt_vs, vs, ve):
    ve_t = jnp.pad(ve.transpose(0, 2, 1), ((0, 0), (0, 0), (0, NP - N)))
    ve_r = ve_t.reshape(B, K, WPB, CH).transpose(0, 2, 1, 3)
    vg = jnp.concatenate([vs, gt_vs], axis=2)
    vg_t = jnp.pad(vg.transpose(0, 2, 1), ((0, 0), (0, 0), (0, NP - N)))
    vg_r = vg_t.reshape(B, 6, WPB, CH).transpose(0, 2, 1, 3)

    mesh = plsc.VectorSubcoreMesh(core_axis_name="c", subcore_axis_name="s")
    run = pl.kernel(
        _sc_loss,
        out_type=jax.ShapeDtypeStruct((NW, 16), jnp.float32),
        mesh=mesh,
        compiler_params=pltpu.CompilerParams(needs_layout_passes=False),
        scratch_types=[
            pltpu.VMEM((E,), jnp.float32),
            pltpu.VMEM((K, CH), jnp.int32),
            pltpu.VMEM((6, CH), jnp.float32),
            pltpu.VMEM((16,), jnp.float32),
            pltpu.SemaphoreType.DMA,
        ],
    )
    partials = run(out_edges, ve_r, vg_r)
    return jnp.sum(partials)

# --- scband reference (transcript-rebuilt; emitter-appended) ---
"""Pipeline reference for scband-surf-loss-28518582845879 (READ-ONLY COPY).

The authoritative reference and input builder live on the scoring server;
editing this copy changes nothing except your own understanding.
"""

import jax, jax.numpy as jnp
import numpy as np

B, N, K, E = 4, 2500, 12, 7500

def setup_inputs(seed: int = 0) -> dict:
    key = jax.random.key(seed)
    k1, k2, k3, k4 = jax.random.split(key, 4)
    out_edges = jax.random.normal(k1, (B, 1, E), dtype=jnp.float32)
    gt_vs = jax.random.normal(k2, (B, N, 3), dtype=jnp.float32)
    vs = jax.random.normal(k3, (B, N, 3), dtype=jnp.float32)
    ve = jax.random.randint(k4, (B, N, K), 0, E, dtype=jnp.int32)
    return {"out_edges": out_edges, "gt_vs": gt_vs, "vs": vs, "ve": ve}

def reference(out_edges, gt_vs, vs, ve):
    # Faithful vectorization of the python double loop:
    # for each batch i and vertex j:
    #   e_f = out_edge[0, ve[i, j]]          -> gather edge features
    #   offset = mean(e_f)                   -> per-vertex scalar offset
    #   loss += mean((v[j] + offset - gt_v[j])**2)   (nn.MSELoss default mean over 3 coords)
    oe = out_edges[:, 0, :]                               # [B, E]
    oe_b = jnp.broadcast_to(oe[:, None, :], (oe.shape[0], ve.shape[1], oe.shape[1]))
    e_f = jnp.take_along_axis(oe_b, ve, axis=2)           # [B, N, K]
    offset = jnp.mean(e_f, axis=2)                        # [B, N]
    pred = vs + offset[..., None]                         # [B, N, 3]
    per_vertex_mse = jnp.mean((pred - gt_vs) ** 2, axis=-1)  # [B, N]
    loss = jnp.sum(per_vertex_mse)                        # sum over batches and vertices
    return loss

if __name__ == "__main__":
    import jax
    _d = setup_inputs()
    print(jax.jit(kernel)(*tuple(_d.values())))

</pallas_src>

<mosaic_0001>
#map = affine_map<(d0, d1) -> (0, 0, 0)>
#map1 = affine_map<(d0, d1) -> (0, 0, 0, 0)>
#map2 = affine_map<(d0, d1) -> (0, 0)>
module attributes {stable_mosaic.version = 14 : i64} {
  func.func @_sc_loss(%arg0: i32, %arg1: i32, %arg2: memref<4x1x7500xf32, #tpu.memory_space<hbm>>, %arg3: memref<4x8x12x320xi32, #tpu.memory_space<hbm>>, %arg4: memref<4x8x6x320xf32, #tpu.memory_space<hbm>>, %arg5: memref<32x16xf32, #tpu.memory_space<hbm>>, %arg6: memref<7500xf32, #tpu.memory_space<vmem>>, %arg7: memref<12x320xi32, #tpu.memory_space<vmem>>, %arg8: memref<6x320xf32, #tpu.memory_space<vmem>>, %arg9: memref<16xf32, #tpu.memory_space<vmem>>, %arg10: memref<!tpu.dma_semaphore, #tpu.memory_space<semaphore_mem>>) attributes {dimension_semantics = [#tpu.dimension_semantics<core_parallel>, #tpu.dimension_semantics<subcore_parallel>], iteration_bounds = array<i64: 2, 16>, scalar_prefetch = 0 : i64, scratch_operands = 5 : i64, tpu.core_type = #tpu.core_type<sc_vector_subcore>, window_params = [{transform_indices = #map}, {transform_indices = #map1}, {transform_indices = #map1}, {transform_indices = #map2}]} {
    %mul3A = arith.constant 2 : i32
    %mul3A_0 = arith.muli %arg1, %mul3A : i32
    %add3A = arith.addi %mul3A_0, %arg0 : i32
    %jit3A = arith.constant 8 : i32
    %div3A = arith.divsi %add3A, %jit3A : i32
    %sign3A = arith.constant 0 : i32
    %sign3A_1 = arith.cmpi sgt, %add3A, %sign3A : i32
    %sign3A_2 = arith.extui %sign3A_1 : i1 to i32
    %sign3A_3 = arith.constant 0 : i32
    %sign3A_4 = arith.cmpi slt, %add3A, %sign3A_3 : i32
    %sign3A_5 = arith.extui %sign3A_4 : i1 to i32
    %sign3A_6 = arith.subi %sign3A_2, %sign3A_5 : i32
    %sign3A_7 = arith.constant 0 : i32
    %sign3A_8 = arith.cmpi sgt, %jit3A, %sign3A_7 : i32
    %sign3A_9 = arith.extui %sign3A_8 : i1 to i32
    %sign3A_10 = arith.constant 0 : i32
    %sign3A_11 = arith.cmpi slt, %jit3A, %sign3A_10 : i32
    %sign3A_12 = arith.extui %sign3A_11 : i1 to i32
    %sign3A_13 = arith.subi %sign3A_9, %sign3A_12 : i32
    %ne3A = arith.cmpi ne, %sign3A_6, %sign3A_13 : i32
    %rem3A = arith.remsi %add3A, %jit3A : i32
    %ne3A_14 = arith.constant 0 : i32
    %ne3A_15 = arith.cmpi ne, %rem3A, %ne3A_14 : i32
    %and3A = arith.andi %ne3A, %ne3A_15 : i1
    %sub3A = arith.constant 1 : i32
    %sub3A_16 = arith.subi %div3A, %sub3A : i32
    %select_n3A = arith.select %and3A, %sub3A_16, %div3A : i32
    %rem3A_17 = arith.constant 8 : i32
    %rem3A_18 = arith.remsi %add3A, %rem3A_17 : i32
    %dma_start3A = arith.constant 0 : i32
    %dma_start3A_19 = arith.constant 0 : i32
    %dma_start3A_20 = tpu.memref_slice %arg2[%select_n3A, %dma_start3A, %dma_start3A_19] : memref<4x1x7500xf32, #tpu.memory_space<hbm>> -> memref<1x1x7500xf32, #tpu.memory_space<hbm>>
    %dma_start3A_21 = tpu.memref_squeeze %dma_start3A_20 : memref<1x1x7500xf32, #tpu.memory_space<hbm>> -> memref<7500xf32, #tpu.memory_space<hbm>>
    %dma_start3A_22 = arith.constant 0 : i32
    %dma_start3A_23 = tpu.memref_slice %arg2[%select_n3A, %dma_start3A, %dma_start3A_22] : memref<4x1x7500xf32, #tpu.memory_space<hbm>> -> memref<1x1x7500xf32, #tpu.memory_space<hbm>>
    %dma_start3A_24 = tpu.memref_squeeze %dma_start3A_23 : memref<1x1x7500xf32, #tpu.memory_space<hbm>> -> memref<7500xf32, #tpu.memory_space<hbm>>
    tpu.enqueue_dma source(%dma_start3A_24 : memref<7500xf32, #tpu.memory_space<hbm>>) target(%arg6 : memref<7500xf32, #tpu.memory_space<vmem>>) target_semaphore(%arg10 : memref<!tpu.dma_semaphore, #tpu.memory_space<semaphore_mem>>)
    %dma_start3A_25 = arith.constant 0 : i32
    %dma_start3A_26 = arith.constant 0 : i32
    %dma_start3A_27 = tpu.memref_slice %arg3[%select_n3A, %rem3A_18, %dma_start3A_25, %dma_start3A_26] : memref<4x8x12x320xi32, #tpu.memory_space<hbm>> -> memref<1x1x12x320xi32, #tpu.memory_space<hbm>>
    %dma_start3A_28 = tpu.memref_squeeze %dma_start3A_27 : memref<1x1x12x320xi32, #tpu.memory_space<hbm>> -> memref<12x320xi32, #tpu.memory_space<hbm>>
    %dma_start3A_29 = arith.constant 0 : i32
    %dma_start3A_30 = arith.constant 0 : i32
    %dma_start3A_31 = tpu.memref_slice %arg3[%select_n3A, %rem3A_18, %dma_start3A_29, %dma_start3A_30] : memref<4x8x12x320xi32, #tpu.memory_space<hbm>> -> memref<1x1x12x320xi32, #tpu.memory_space<hbm>>
    %dma_start3A_32 = tpu.memref_squeeze %dma_start3A_31 : memref<1x1x12x320xi32, #tpu.memory_space<hbm>> -> memref<12x320xi32, #tpu.memory_space<hbm>>
    tpu.enqueue_dma source(%dma_start3A_32 : memref<12x320xi32, #tpu.memory_space<hbm>>) target(%arg7 : memref<12x320xi32, #tpu.memory_space<vmem>>) target_semaphore(%arg10 : memref<!tpu.dma_semaphore, #tpu.memory_space<semaphore_mem>>)
    %dma_start3A_33 = arith.constant 0 : i32
    %dma_start3A_34 = arith.constant 0 : i32
    %dma_start3A_35 = tpu.memref_slice %arg4[%select_n3A, %rem3A_18, %dma_start3A_33, %dma_start3A_34] : memref<4x8x6x320xf32, #tpu.memory_space<hbm>> -> memref<1x1x6x320xf32, #tpu.memory_space<hbm>>
    %dma_start3A_36 = tpu.memref_squeeze %dma_start3A_35 : memref<1x1x6x320xf32, #tpu.memory_space<hbm>> -> memref<6x320xf32, #tpu.memory_space<hbm>>
    %dma_start3A_37 = arith.constant 0 : i32
    %dma_start3A_38 = arith.constant 0 : i32
    %dma_start3A_39 = tpu.memref_slice %arg4[%select_n3A, %rem3A_18, %dma_start3A_37, %dma_start3A_38] : memref<4x8x6x320xf32, #tpu.memory_space<hbm>> -> memref<1x1x6x320xf32, #tpu.memory_space<hbm>>
    %dma_start3A_40 = tpu.memref_squeeze %dma_start3A_39 : memref<1x1x6x320xf32, #tpu.memory_space<hbm>> -> memref<6x320xf32, #tpu.memory_space<hbm>>
    tpu.enqueue_dma source(%dma_start3A_40 : memref<6x320xf32, #tpu.memory_space<hbm>>) target(%arg8 : memref<6x320xf32, #tpu.memory_space<vmem>>) target_semaphore(%arg10 : memref<!tpu.dma_semaphore, #tpu.memory_space<semaphore_mem>>)
    %dma_wait3A = arith.constant 0 : i32
    %dma_wait3A_41 = arith.constant 0 : i32
    %dma_wait3A_42 = tpu.memref_slice %arg2[%select_n3A, %dma_wait3A, %dma_wait3A_41] : memref<4x1x7500xf32, #tpu.memory_space<hbm>> -> memref<1x1x7500xf32, #tpu.memory_space<hbm>>
    %dma_wait3A_43 = tpu.memref_squeeze %dma_wait3A_42 : memref<1x1x7500xf32, #tpu.memory_space<hbm>> -> memref<7500xf32, #tpu.memory_space<hbm>>
    %dma_wait3A_44 = arith.constant 0 : i32
    %dma_wait3A_45 = tpu.memref_slice %arg2[%select_n3A, %dma_wait3A, %dma_wait3A_44] : memref<4x1x7500xf32, #tpu.memory_space<hbm>> -> memref<1x1x7500xf32, #tpu.memory_space<hbm>>
    %dma_wait3A_46 = tpu.memref_squeeze %dma_wait3A_45 : memref<1x1x7500xf32, #tpu.memory_space<hbm>> -> memref<7500xf32, #tpu.memory_space<hbm>>
    tpu.wait_dma2 semaphore(%arg10 : memref<!tpu.dma_semaphore, #tpu.memory_space<semaphore_mem>>) src(%dma_wait3A_46 : memref<7500xf32, #tpu.memory_space<hbm>>) dst(%arg6 : memref<7500xf32, #tpu.memory_space<vmem>>)
    %dma_wait3A_47 = arith.constant 0 : i32
    %dma_wait3A_48 = arith.constant 0 : i32
    %dma_wait3A_49 = tpu.memref_slice %arg3[%select_n3A, %rem3A_18, %dma_wait3A_47, %dma_wait3A_48] : memref<4x8x12x320xi32, #tpu.memory_space<hbm>> -> memref<1x1x12x320xi32, #tpu.memory_space<hbm>>
    %dma_wait3A_50 = tpu.memref_squeeze %dma_wait3A_49 : memref<1x1x12x320xi32, #tpu.memory_space<hbm>> -> memref<12x320xi32, #tpu.memory_space<hbm>>
    %dma_wait3A_51 = arith.constant 0 : i32
    %dma_wait3A_52 = arith.constant 0 : i32
    %dma_wait3A_53 = tpu.memref_slice %arg3[%select_n3A, %rem3A_18, %dma_wait3A_51, %dma_wait3A_52] : memref<4x8x12x320xi32, #tpu.memory_space<hbm>> -> memref<1x1x12x320xi32, #tpu.memory_space<hbm>>
    %dma_wait3A_54 = tpu.memref_squeeze %dma_wait3A_53 : memref<1x1x12x320xi32, #tpu.memory_space<hbm>> -> memref<12x320xi32, #tpu.memory_space<hbm>>
    tpu.wait_dma2 semaphore(%arg10 : memref<!tpu.dma_semaphore, #tpu.memory_space<semaphore_mem>>) src(%dma_wait3A_54 : memref<12x320xi32, #tpu.memory_space<hbm>>) dst(%arg7 : memref<12x320xi32, #tpu.memory_space<vmem>>)
    %dma_wait3A_55 = arith.constant 0 : i32
    %dma_wait3A_56 = arith.constant 0 : i32
    %dma_wait3A_57 = tpu.memref_slice %arg4[%select_n3A, %rem3A_18, %dma_wait3A_55, %dma_wait3A_56] : memref<4x8x6x320xf32, #tpu.memory_space<hbm>> -> memref<1x1x6x320xf32, #tpu.memory_space<hbm>>
    %dma_wait3A_58 = tpu.memref_squeeze %dma_wait3A_57 : memref<1x1x6x320xf32, #tpu.memory_space<hbm>> -> memref<6x320xf32, #tpu.memory_space<hbm>>
    %dma_wait3A_59 = arith.constant 0 : i32
    %dma_wait3A_60 = arith.constant 0 : i32
    %dma_wait3A_61 = tpu.memref_slice %arg4[%select_n3A, %rem3A_18, %dma_wait3A_59, %dma_wait3A_60] : memref<4x8x6x320xf32, #tpu.memory_space<hbm>> -> memref<1x1x6x320xf32, #tpu.memory_space<hbm>>
    %dma_wait3A_62 = tpu.memref_squeeze %dma_wait3A_61 : memref<1x1x6x320xf32, #tpu.memory_space<hbm>> -> memref<6x320xf32, #tpu.memory_space<hbm>>
    tpu.wait_dma2 semaphore(%arg10 : memref<!tpu.dma_semaphore, #tpu.memory_space<semaphore_mem>>) src(%dma_wait3A_62 : memref<6x320xf32, #tpu.memory_space<hbm>>) dst(%arg8 : memref<6x320xf32, #tpu.memory_space<vmem>>)
    %mul3A_63 = arith.constant 320 : i32
    %mul3A_64 = arith.muli %rem3A_18, %mul3A_63 : i32
    %iota3A = tpu.iota {dimensions = array<i32: 0>} : vector<16xi32>
    %add3A_65 = vector.broadcast %mul3A_64 : i32 to vector<16xi32>
    %add3A_66 = arith.addi %add3A_65, %iota3A : vector<16xi32>
    %broadcast_in_dim3A = arith.constant 0.000000e+00 : f32
    %broadcast_in_dim3A_67 = vector.broadcast %broadcast_in_dim3A : f32 to vector<16xf32>
    %scan3A = arith.constant 0 : i32
    %scan3A_68 = arith.constant 10 : i32
    %scan3A_69 = arith.addi %scan3A, %scan3A_68 : i32
    %scan3A_70 = arith.constant 1 : i32
    %scan3A_71 = scf.for %scan3A_74 = %scan3A to %scan3A_69 step %scan3A_70 iter_args(%scan3A_75 = %broadcast_in_dim3A_67) -> (vector<16xf32>)  : i32 {
      %mul3A_76 = arith.constant 32 : i32
      %mul3A_77 = arith.muli %scan3A_74, %mul3A_76 : i32
      %get3A = arith.constant 0 : i32
      %get3A_78 = arith.index_cast %get3A : i32 to index
      %get3A_79 = arith.index_cast %mul3A_77 : i32 to index
      %get3A_80 = tpu.vector_load %arg7[%get3A_78, %get3A_79] {strides = array<i32>} : memref<12x320xi32, #tpu.memory_space<vmem>>, vector<16xi32>,
      %gather3A = tpu.vector_load_idx %arg6[%get3A_80] : memref<7500xf32, #tpu.memory_space<vmem>>[vector<16xi32>], vector<16xf32>,
      %get3A_81 = arith.constant 1 : i32
      %get3A_82 = arith.index_cast %get3A_81 : i32 to index
      %get3A_83 = arith.index_cast %mul3A_77 : i32 to index
      %get3A_84 = tpu.vector_load %arg7[%get3A_82, %get3A_83] {strides = array<i32>} : memref<12x320xi32, #tpu.memory_space<vmem>>, vector<16xi32>,
      %gather3A_85 = tpu.vector_load_idx %arg6[%get3A_84] : memref<7500xf32, #tpu.memory_space<vmem>>[vector<16xi32>], vector<16xf32>,
      %get3A_86 = arith.constant 2 : i32
      %get3A_87 = arith.index_cast %get3A_86 : i32 to index
      %get3A_88 = arith.index_cast %mul3A_77 : i32 to index
      %get3A_89 = tpu.vector_load %arg7[%get3A_87, %get3A_88] {strides = array<i32>} : memref<12x320xi32, #tpu.memory_space<vmem>>, vector<16xi32>,
      %gather3A_90 = tpu.vector_load_idx %arg6[%get3A_89] : memref<7500xf32, #tpu.memory_space<vmem>>[vector<16xi32>], vector<16xf32>,
      %get3A_91 = arith.constant 3 : i32
      %get3A_92 = arith.index_cast %get3A_91 : i32 to index
      %get3A_93 = arith.index_cast %mul3A_77 : i32 to index
      %get3A_94 = tpu.vector_load %arg7[%get3A_92, %get3A_93] {strides = array<i32>} : memref<12x320xi32, #tpu.memory_space<vmem>>, vector<16xi32>,
      %gather3A_95 = tpu.vector_load_idx %arg6[%get3A_94] : memref<7500xf32, #tpu.memory_space<vmem>>[vector<16xi32>], vector<16xf32>,
      %get3A_96 = arith.constant 4 : i32
      %get3A_97 = arith.index_cast %get3A_96 : i32 to index
      %get3A_98 = arith.index_cast %mul3A_77 : i32 to index
      %get3A_99 = tpu.vector_load %arg7[%get3A_97, %get3A_98] {strides = array<i32>} : memref<12x320xi32, #tpu.memory_space<vmem>>, vector<16xi32>,
      %gather3A_100 = tpu.vector_load_idx %arg6[%get3A_99] : memref<7500xf32, #tpu.memory_space<vmem>>[vector<16xi32>], vector<16xf32>,
      %get3A_101 = arith.constant 5 : i32
      %get3A_102 = arith.index_cast %get3A_101 : i32 to index
      %get3A_103 = arith.index_cast %mul3A_77 : i32 to index
      %get3A_104 = tpu.vector_load %arg7[%get3A_102, %get3A_103] {strides = array<i32>} : memref<12x320xi32, #tpu.memory_space<vmem>>, vector<16xi32>,
      %gather3A_105 = tpu.vector_load_idx %arg6[%get3A_104] : memref<7500xf32, #tpu.memory_space<vmem>>[vector<16xi32>], vector<16xf32>,
      %get3A_106 = arith.constant 6 : i32
      %get3A_107 = arith.index_cast %get3A_106 : i32 to index
      %get3A_108 = arith.index_cast %mul3A_77 : i32 to index
      %get3A_109 = tpu.vector_load %arg7[%get3A_107, %get3A_108] {strides = array<i32>} : memref<12x320xi32, #tpu.memory_space<vmem>>, vector<16xi32>,
      %gather3A_110 = tpu.vector_load_idx %arg6[%get3A_109] : memref<7500xf32, #tpu.memory_space<vmem>>[vector<16xi32>], vector<16xf32>,
      %get3A_111 = arith.constant 7 : i32
      %get3A_112 = arith.index_cast %get3A_111 : i32 to index
      %get3A_113 = arith.index_cast %mul3A_77 : i32 to index
      %get3A_114 = tpu.vector_load %arg7[%get3A_112, %get3A_113] {strides = array<i32>} : memref<12x320xi32, #tpu.memory_space<vmem>>, vector<16xi32>,
      %gather3A_115 = tpu.vector_load_idx %arg6[%get3A_114] : memref<7500xf32, #tpu.memory_space<vmem>>[vector<16xi32>], vector<16xf32>,
      %get3A_116 = arith.constant 8 : i32
      %get3A_117 = arith.index_cast %get3A_116 : i32 to index
      %get3A_118 = arith.index_cast %mul3A_77 : i32 to index
      %get3A_119 = tpu.vector_load %arg7[%get3A_117, %get3A_118] {strides = array<i32>} : memref<12x320xi32, #tpu.memory_space<vmem>>, vector<16xi32>,
      %gather3A_120 = tpu.vector_load_idx %arg6[%get3A_119] : memref<7500xf32, #tpu.memory_space<vmem>>[vector<16xi32>], vector<16xf32>,
      %get3A_121 = arith.constant 9 : i32
      %get3A_122 = arith.index_cast %get3A_121 : i32 to index
      %get3A_123 = arith.index_cast %mul3A_77 : i32 to index
      %get3A_124 = tpu.vector_load %arg7[%get3A_122, %get3A_123] {strides = array<i32>} : memref<12x320xi32, #tpu.memory_space<vmem>>, vector<16xi32>,
      %gather3A_125 = tpu.vector_load_idx %arg6[%get3A_124] : memref<7500xf32, #tpu.memory_space<vmem>>[vector<16xi32>], vector<16xf32>,
      %get3A_126 = arith.constant 10 : i32
      %get3A_127 = arith.index_cast %get3A_126 : i32 to index
      %get3A_128 = arith.index_cast %mul3A_77 : i32 to index
      %get3A_129 = tpu.vector_load %arg7[%get3A_127, %get3A_128] {strides = array<i32>} : memref<12x320xi32, #tpu.memory_space<vmem>>, vector<16xi32>,
      %gather3A_130 = tpu.vector_load_idx %arg6[%get3A_129] : memref<7500xf32, #tpu.memory_space<vmem>>[vector<16xi32>], vector<16xf32>,
      %get3A_131 = arith.constant 11 : i32
      %get3A_132 = arith.index_cast %get3A_131 : i32 to index
      %get3A_133 = arith.index_cast %mul3A_77 : i32 to index
      %get3A_134 = tpu.vector_load %arg7[%get3A_132, %get3A_133] {strides = array<i32>} : memref<12x320xi32, #tpu.memory_space<vmem>>, vector<16xi32>,
      %gather3A_135 = tpu.vector_load_idx %arg6[%get3A_134] : memref<7500xf32, #tpu.memory_space<vmem>>[vector<16xi32>], vector<16xf32>,
      %add3A_136 = arith.addf %gather3A, %gather3A_85 : vector<16xf32>
      %add3A_137 = arith.addf %gather3A_90, %gather3A_95 : vector<16xf32>
      %add3A_138 = arith.addf %gather3A_100, %gather3A_105 : vector<16xf32>
      %add3A_139 = arith.addf %gather3A_110, %gather3A_115 : vector<16xf32>
      %add3A_140 = arith.addf %gather3A_120, %gather3A_125 : vector<16xf32>
      %add3A_141 = arith.addf %gather3A_130, %gather3A_135 : vector<16xf32>
      %add3A_142 = arith.addf %add3A_136, %add3A_137 : vector<16xf32>
      %add3A_143 = arith.addf %add3A_138, %add3A_139 : vector<16xf32>
      %add3A_144 = arith.addf %add3A_140, %add3A_141 : vector<16xf32>
      %add3A_145 = arith.addf %add3A_142, %add3A_143 : vector<16xf32>
      %add3A_146 = arith.addf %add3A_145, %add3A_144 : vector<16xf32>
      %mul3A_147 = arith.constant 0.0833333358 : f32
      %mul3A_148 = vector.broadcast %mul3A_147 : f32 to vector<16xf32>
      %mul3A_149 = arith.mulf %add3A_146, %mul3A_148 : vector<16xf32>
      %get3A_150 = arith.constant 0 : i32
      %get3A_151 = arith.index_cast %get3A_150 : i32 to index
      %get3A_152 = arith.index_cast %mul3A_77 : i32 to index
      %get3A_153 = tpu.vector_load %arg8[%get3A_151, %get3A_152] {strides = array<i32>} : memref<6x320xf32, #tpu.memory_space<vmem>>, vector<16xf32>,
      %get3A_154 = arith.constant 3 : i32
      %get3A_155 = arith.index_cast %get3A_154 : i32 to index
      %get3A_156 = arith.index_cast %mul3A_77 : i32 to index
      %get3A_157 = tpu.vector_load %arg8[%get3A_155, %get3A_156] {strides = array<i32>} : memref<6x320xf32, #tpu.memory_space<vmem>>, vector<16xf32>,
      %sub3A_158 = arith.subf %get3A_153, %get3A_157 : vector<16xf32>
      %get3A_159 = arith.constant 1 : i32
      %get3A_160 = arith.index_cast %get3A_159 : i32 to index
      %get3A_161 = arith.index_cast %mul3A_77 : i32 to index
      %get3A_162 = tpu.vector_load %arg8[%get3A_160, %get3A_161] {strides = array<i32>} : memref<6x320xf32, #tpu.memory_space<vmem>>, vector<16xf32>,
      %get3A_163 = arith.constant 4 : i32
      %get3A_164 = arith.index_cast %get3A_163 : i32 to index
      %get3A_165 = arith.index_cast %mul3A_77 : i32 to index
      %get3A_166 = tpu.vector_load %arg8[%get3A_164, %get3A_165] {strides = array<i32>} : memref<6x320xf32, #tpu.memory_space<vmem>>, vector<16xf32>,
      %sub3A_167 = arith.subf %get3A_162, %get3A_166 : vector<16xf32>
      %get3A_168 = arith.constant 2 : i32
      %get3A_169 = arith.index_cast %get3A_168 : i32 to index
      %get3A_170 = arith.index_cast %mul3A_77 : i32 to index
      %get3A_171 = tpu.vector_load %arg8[%get3A_169, %get3A_170] {strides = array<i32>} : memref<6x320xf32, #tpu.memory_space<vmem>>, vector<16xf32>,
      %get3A_172 = arith.constant 5 : i32
      %get3A_173 = arith.index_cast %get3A_172 : i32 to index
      %get3A_174 = arith.index_cast %mul3A_77 : i32 to index
      %get3A_175 = tpu.vector_load %arg8[%get3A_173, %get3A_174] {strides = array<i32>} : memref<6x320xf32, #tpu.memory_space<vmem>>, vector<16xf32>,
      %sub3A_176 = arith.subf %get3A_171, %get3A_175 : vector<16xf32>
      %mul3A_177 = arith.mulf %sub3A_158, %sub3A_158 : vector<16xf32>
      %mul3A_178 = arith.mulf %sub3A_167, %sub3A_167 : vector<16xf32>
      %add3A_179 = arith.addf %mul3A_177, %mul3A_178 : vector<16xf32>
      %mul3A_180 = arith.mulf %sub3A_176, %sub3A_176 : vector<16xf32>
      %add3A_181 = arith.addf %add3A_179, %mul3A_180 : vector<16xf32>
      %mul3A_182 = arith.constant 0.333333343 : f32
      %mul3A_183 = vector.broadcast %mul3A_182 : f32 to vector<16xf32>
      %mul3A_184 = arith.mulf %add3A_181, %mul3A_183 : vector<16xf32>
      %add3A_185 = arith.addf %sub3A_158, %sub3A_167 : vector<16xf32>
      %add3A_186 = arith.addf %add3A_185, %sub3A_176 : vector<16xf32>
      %mul3A_187 = arith.constant 0.666666686 : f32
      %mul3A_188 = vector.broadcast %mul3A_187 : f32 to vector<16xf32>
      %mul3A_189 = arith.mulf %add3A_186, %mul3A_188 : vector<16xf32>
      %add3A_190 = arith.addf %mul3A_189, %mul3A_149 : vector<16xf32>
      %mul3A_191 = arith.mulf %mul3A_149, %add3A_190 : vector<16xf32>
      %add3A_192 = arith.addf %mul3A_184, %mul3A_191 : vector<16xf32>
      %add3A_193 = vector.broadcast %mul3A_77 : i32 to vector<16xi32>
      %add3A_194 = arith.addi %add3A_66, %add3A_193 : vector<16xi32>
      %lt3A = arith.constant 2500 : i32
      %lt3A_195 = vector.broadcast %lt3A : i32 to vector<16xi32>
      %lt3A_196 = arith.cmpi slt, %add3A_194, %lt3A_195 : vector<16xi32>
      %jit3A_197 = arith.constant 0.000000e+00 : f32
      %broadcast_in_dim3A_198 = vector.broadcast %jit3A_197 : f32 to vector<16xf32>
      %select_n3A_199 = arith.select %lt3A_196, %add3A_192, %broadcast_in_dim3A_198 : vector<16xi1>, vector<16xf32>
      %add3A_200 = arith.addf %scan3A_75, %select_n3A_199 : vector<16xf32>
      %add3A_201 = arith.constant 16 : i32
      %add3A_202 = arith.addi %mul3A_77, %add3A_201 : i32
      %get3A_203 = arith.constant 0 : i32
      %get3A_204 = arith.index_cast %get3A_203 : i32 to index
      %get3A_205 = arith.index_cast %add3A_202 : i32 to index
      %get3A_206 = tpu.vector_load %arg7[%get3A_204, %get3A_205] {strides = array<i32>} : memref<12x320xi32, #tpu.memory_space<vmem>>, vector<16xi32>,
      %gather3A_207 = tpu.vector_load_idx %arg6[%get3A_206] : memref<7500xf32, #tpu.memory_space<vmem>>[vector<16xi32>], vector<16xf32>,
      %get3A_208 = arith.constant 1 : i32
      %get3A_209 = arith.index_cast %get3A_208 : i32 to index
      %get3A_210 = arith.index_cast %add3A_202 : i32 to index
      %get3A_211 = tpu.vector_load %arg7[%get3A_209, %get3A_210] {strides = array<i32>} : memref<12x320xi32, #tpu.memory_space<vmem>>, vector<16xi32>,
      %gather3A_212 = tpu.vector_load_idx %arg6[%get3A_211] : memref<7500xf32, #tpu.memory_space<vmem>>[vector<16xi32>], vector<16xf32>,
      %get3A_213 = arith.constant 2 : i32
      %get3A_214 = arith.index_cast %get3A_213 : i32 to index
      %get3A_215 = arith.index_cast %add3A_202 : i32 to index
      %get3A_216 = tpu.vector_load %arg7[%get3A_214, %get3A_215] {strides = array<i32>} : memref<12x320xi32, #tpu.memory_space<vmem>>, vector<16xi32>,
      %gather3A_217 = tpu.vector_load_idx %arg6[%get3A_216] : memref<7500xf32, #tpu.memory_space<vmem>>[vector<16xi32>], vector<16xf32>,
      %get3A_218 = arith.constant 3 : i32
      %get3A_219 = arith.index_cast %get3A_218 : i32 to index
      %get3A_220 = arith.index_cast %add3A_202 : i32 to index
      %get3A_221 = tpu.vector_load %arg7[%get3A_219, %get3A_220] {strides = array<i32>} : memref<12x320xi32, #tpu.memory_space<vmem>>, vector<16xi32>,
      %gather3A_222 = tpu.vector_load_idx %arg6[%get3A_221] : memref<7500xf32, #tpu.memory_space<vmem>>[vector<16xi32>], vector<16xf32>,
      %get3A_223 = arith.constant 4 : i32
      %get3A_224 = arith.index_cast %get3A_223 : i32 to index
      %get3A_225 = arith.index_cast %add3A_202 : i32 to index
      %get3A_226 = tpu.vector_load %arg7[%get3A_224, %get3A_225] {strides = array<i32>} : memref<12x320xi32, #tpu.memory_space<vmem>>, vector<16xi32>,
      %gather3A_227 = tpu.vector_load_idx %arg6[%get3A_226] : memref<7500xf32, #tpu.memory_space<vmem>>[vector<16xi32>], vector<16xf32>,
      %get3A_228 = arith.constant 5 : i32
      %get3A_229 = arith.index_cast %get3A_228 : i32 to index
      %get3A_230 = arith.index_cast %add3A_202 : i32 to index
      %get3A_231 = tpu.vector_load %arg7[%get3A_229, %get3A_230] {strides = array<i32>} : memref<12x320xi32, #tpu.memory_space<vmem>>, vector<16xi32>,
      %gather3A_232 = tpu.vector_load_idx %arg6[%get3A_231] : memref<7500xf32, #tpu.memory_space<vmem>>[vector<16xi32>], vector<16xf32>,
      %get3A_233 = arith.constant 6 : i32
      %get3A_234 = arith.index_cast %get3A_233 : i32 to index
      %get3A_235 = arith.index_cast %add3A_202 : i32 to index
      %get3A_236 = tpu.vector_load %arg7[%get3A_234, %get3A_235] {strides = array<i32>} : memref<12x320xi32, #tpu.memory_space<vmem>>, vector<16xi32>,
      %gather3A_237 = tpu.vector_load_idx %arg6[%get3A_236] : memref<7500xf32, #tpu.memory_space<vmem>>[vector<16xi32>], vector<16xf32>,
      %get3A_238 = arith.constant 7 : i32
      %get3A_239 = arith.index_cast %get3A_238 : i32 to index
      %get3A_240 = arith.index_cast %add3A_202 : i32 to index
      %get3A_241 = tpu.vector_load %arg7[%get3A_239, %get3A_240] {strides = array<i32>} : memref<12x320xi32, #tpu.memory_space<vmem>>, vector<16xi32>,
      %gather3A_242 = tpu.vector_load_idx %arg6[%get3A_241] : memref<7500xf32, #tpu.memory_space<vmem>>[vector<16xi32>], vector<16xf32>,
      %get3A_243 = arith.constant 8 : i32
      %get3A_244 = arith.index_cast %get3A_243 : i32 to index
      %get3A_245 = arith.index_cast %add3A_202 : i32 to index
      %get3A_246 = tpu.vector_load %arg7[%get3A_244, %get3A_245] {strides = array<i32>} : memref<12x320xi32, #tpu.memory_space<vmem>>, vector<16xi32>,
      %gather3A_247 = tpu.vector_load_idx %arg6[%get3A_246] : memref<7500xf32, #tpu.memory_space<vmem>>[vector<16xi32>], vector<16xf32>,
      %get3A_248 = arith.constant 9 : i32
      %get3A_249 = arith.index_cast %get3A_248 : i32 to index
      %get3A_250 = arith.index_cast %add3A_202 : i32 to index
      %get3A_251 = tpu.vector_load %arg7[%get3A_249, %get3A_250] {strides = array<i32>} : memref<12x320xi32, #tpu.memory_space<vmem>>, vector<16xi32>,
      %gather3A_252 = tpu.vector_load_idx %arg6[%get3A_251] : memref<7500xf32, #tpu.memory_space<vmem>>[vector<16xi32>], vector<16xf32>,
      %get3A_253 = arith.constant 10 : i32
      %get3A_254 = arith.index_cast %get3A_253 : i32 to index
      %get3A_255 = arith.index_cast %add3A_202 : i32 to index
      %get3A_256 = tpu.vector_load %arg7[%get3A_254, %get3A_255] {strides = array<i32>} : memref<12x320xi32, #tpu.memory_space<vmem>>, vector<16xi32>,
      %gather3A_257 = tpu.vector_load_idx %arg6[%get3A_256] : memref<7500xf32, #tpu.memory_space<vmem>>[vector<16xi32>], vector<16xf32>,
      %get3A_258 = arith.constant 11 : i32
      %get3A_259 = arith.index_cast %get3A_258 : i32 to index
      %get3A_260 = arith.index_cast %add3A_202 : i32 to index
      %get3A_261 = tpu.vector_load %arg7[%get3A_259, %get3A_260] {strides = array<i32>} : memref<12x320xi32, #tpu.memory_space<vmem>>, vector<16xi32>,
      %gather3A_262 = tpu.vector_load_idx %arg6[%get3A_261] : memref<7500xf32, #tpu.memory_space<vmem>>[vector<16xi32>], vector<16xf32>,
      %add3A_263 = arith.addf %gather3A_207, %gather3A_212 : vector<16xf32>
      %add3A_264 = arith.addf %gather3A_217, %gather3A_222 : vector<16xf32>
      %add3A_265 = arith.addf %gather3A_227, %gather3A_232 : vector<16xf32>
      %add3A_266 = arith.addf %gather3A_237, %gather3A_242 : vector<16xf32>
      %add3A_267 = arith.addf %gather3A_247, %gather3A_252 : vector<16xf32>
      %add3A_268 = arith.addf %gather3A_257, %gather3A_262 : vector<16xf32>
      %add3A_269 = arith.addf %add3A_263, %add3A_264 : vector<16xf32>
      %add3A_270 = arith.addf %add3A_265, %add3A_266 : vector<16xf32>
      %add3A_271 = arith.addf %add3A_267, %add3A_268 : vector<16xf32>
      %add3A_272 = arith.addf %add3A_269, %add3A_270 : vector<16xf32>
      %add3A_273 = arith.addf %add3A_272, %add3A_271 : vector<16xf32>
      %mul3A_274 = arith.constant 0.0833333358 : f32
      %mul3A_275 = vector.broadcast %mul3A_274 : f32 to vector<16xf32>
      %mul3A_276 = arith.mulf %add3A_273, %mul3A_275 : vector<16xf32>
      %get3A_277 = arith.constant 0 : i32
      %get3A_278 = arith.index_cast %get3A_277 : i32 to index
      %get3A_279 = arith.index_cast %add3A_202 : i32 to index
      %get3A_280 = tpu.vector_load %arg8[%get3A_278, %get3A_279] {strides = array<i32>} : memref<6x320xf32, #tpu.memory_space<vmem>>, vector<16xf32>,
      %get3A_281 = arith.constant 3 : i32
      %get3A_282 = arith.index_cast %get3A_281 : i32 to index
      %get3A_283 = arith.index_cast %add3A_202 : i32 to index
      %get3A_284 = tpu.vector_load %arg8[%get3A_282, %get3A_283] {strides = array<i32>} : memref<6x320xf32, #tpu.memory_space<vmem>>, vector<16xf32>,
      %sub3A_285 = arith.subf %get3A_280, %get3A_284 : vector<16xf32>
      %get3A_286 = arith.constant 1 : i32
      %get3A_287 = arith.index_cast %get3A_286 : i32 to index
      %get3A_288 = arith.index_cast %add3A_202 : i32 to index
      %get3A_289 = tpu.vector_load %arg8[%get3A_287, %get3A_288] {strides = array<i32>} : memref<6x320xf32, #tpu.memory_space<vmem>>, vector<16xf32>,
      %get3A_290 = arith.constant 4 : i32
      %get3A_291 = arith.index_cast %get3A_290 : i32 to index
      %get3A_292 = arith.index_cast %add3A_202 : i32 to index
      %get3A_293 = tpu.vector_load %arg8[%get3A_291, %get3A_292] {strides = array<i32>} : memref<6x320xf32, #tpu.memory_space<vmem>>, vector<16xf32>,
      %sub3A_294 = arith.subf %get3A_289, %get3A_293 : vector<16xf32>
      %get3A_295 = arith.constant 2 : i32
      %get3A_296 = arith.index_cast %get3A_295 : i32 to index
      %get3A_297 = arith.index_cast %add3A_202 : i32 to index
      %get3A_298 = tpu.vector_load %arg8[%get3A_296, %get3A_297] {strides = array<i32>} : memref<6x320xf32, #tpu.memory_space<vmem>>, vector<16xf32>,
      %get3A_299 = arith.constant 5 : i32
      %get3A_300 = arith.index_cast %get3A_299 : i32 to index
      %get3A_301 = arith.index_cast %add3A_202 : i32 to index
      %get3A_302 = tpu.vector_load %arg8[%get3A_300, %get3A_301] {strides = array<i32>} : memref<6x320xf32, #tpu.memory_space<vmem>>, vector<16xf32>,
      %sub3A_303 = arith.subf %get3A_298, %get3A_302 : vector<16xf32>
      %mul3A_304 = arith.mulf %sub3A_285, %sub3A_285 : vector<16xf32>
      %mul3A_305 = arith.mulf %sub3A_294, %sub3A_294 : vector<16xf32>
      %add3A_306 = arith.addf %mul3A_304, %mul3A_305 : vector<16xf32>
      %mul3A_307 = arith.mulf %sub3A_303, %sub3A_303 : vector<16xf32>
      %add3A_308 = arith.addf %add3A_306, %mul3A_307 : vector<16xf32>
      %mul3A_309 = arith.constant 0.333333343 : f32
      %mul3A_310 = vector.broadcast %mul3A_309 : f32 to vector<16xf32>
      %mul3A_311 = arith.mulf %add3A_308, %mul3A_310 : vector<16xf32>
      %add3A_312 = arith.addf %sub3A_285, %sub3A_294 : vector<16xf32>
      %add3A_313 = arith.addf %add3A_312, %sub3A_303 : vector<16xf32>
      %mul3A_314 = arith.constant 0.666666686 : f32
      %mul3A_315 = vector.broadcast %mul3A_314 : f32 to vector<16xf32>
      %mul3A_316 = arith.mulf %add3A_313, %mul3A_315 : vector<16xf32>
      %add3A_317 = arith.addf %mul3A_316, %mul3A_276 : vector<16xf32>
      %mul3A_318 = arith.mulf %mul3A_276, %add3A_317 : vector<16xf32>
      %add3A_319 = arith.addf %mul3A_311, %mul3A_318 : vector<16xf32>
      %add3A_320 = vector.broadcast %add3A_202 : i32 to vector<16xi32>
      %add3A_321 = arith.addi %add3A_66, %add3A_320 : vector<16xi32>
      %lt3A_322 = arith.constant 2500 : i32
      %lt3A_323 = vector.broadcast %lt3A_322 : i32 to vector<16xi32>
      %lt3A_324 = arith.cmpi slt, %add3A_321, %lt3A_323 : vector<16xi32>
      %jit3A_325 = arith.constant 0.000000e+00 : f32
      %broadcast_in_dim3A_326 = vector.broadcast %jit3A_325 : f32 to vector<16xf32>
      %select_n3A_327 = arith.select %lt3A_324, %add3A_319, %broadcast_in_dim3A_326 : vector<16xi1>, vector<16xf32>
      %add3A_328 = arith.addf %add3A_200, %select_n3A_327 : vector<16xf32>
      scf.yield %add3A_328 : vector<16xf32>
    }
    %scan3A_72 = arith.constant 10 : i32
    %swap3A = arith.constant 0 : index
    %swap3A_73 = tpu.vector_load %arg9[%swap3A] {strides = array<i32>} : memref<16xf32, #tpu.memory_space<vmem>>, vector<16xf32>,
    tpu.vector_store %arg9[%swap3A], %scan3A_71 {strides = array<i32>} : memref<16xf32, #tpu.memory_space<vmem>>, vector<16xf32>,
    "tpu.region"() ({
      %run_scoped3A = tpu.sem_alloc : memref<!tpu.dma_semaphore, #tpu.memory_space<semaphore_mem>>
      %dma_start3A_74 = arith.constant 0 : i32
      %dma_start3A_75 = tpu.memref_slice %arg5[%add3A, %dma_start3A_74] : memref<32x16xf32, #tpu.memory_space<hbm>> -> memref<1x16xf32, #tpu.memory_space<hbm>>
      %dma_start3A_76 = tpu.memref_squeeze %dma_start3A_75 : memref<1x16xf32, #tpu.memory_space<hbm>> -> memref<16xf32, #tpu.memory_space<hbm>>
      %dma_start3A_77 = arith.constant 0 : i32
      %dma_start3A_78 = tpu.memref_slice %arg5[%add3A, %dma_start3A_77] : memref<32x16xf32, #tpu.memory_space<hbm>> -> memref<1x16xf32, #tpu.memory_space<hbm>>
      %dma_start3A_79 = tpu.memref_squeeze %dma_start3A_78 : memref<1x16xf32, #tpu.memory_space<hbm>> -> memref<16xf32, #tpu.memory_space<hbm>>
      tpu.enqueue_dma source(%arg9 : memref<16xf32, #tpu.memory_space<vmem>>) target(%dma_start3A_79 : memref<16xf32, #tpu.memory_space<hbm>>) target_semaphore(%run_scoped3A : memref<!tpu.dma_semaphore, #tpu.memory_space<semaphore_mem>>)
      %dma_wait3A_80 = arith.constant 0 : i32
      %dma_wait3A_81 = tpu.memref_slice %arg5[%add3A, %dma_wait3A_80] : memref<32x16xf32, #tpu.memory_space<hbm>> -> memref<1x16xf32, #tpu.memory_space<hbm>>
      %dma_wait3A_82 = tpu.memref_squeeze %dma_wait3A_81 : memref<1x16xf32, #tpu.memory_space<hbm>> -> memref<16xf32, #tpu.memory_space<hbm>>
      %dma_wait3A_83 = arith.constant 0 : i32
      %dma_wait3A_84 = tpu.memref_slice %arg5[%add3A, %dma_wait3A_83] : memref<32x16xf32, #tpu.memory_space<hbm>> -> memref<1x16xf32, #tpu.memory_space<hbm>>
      %dma_wait3A_85 = tpu.memref_squeeze %dma_wait3A_84 : memref<1x16xf32, #tpu.memory_space<hbm>> -> memref<16xf32, #tpu.memory_space<hbm>>
      tpu.wait_dma2 semaphore(%run_scoped3A : memref<!tpu.dma_semaphore, #tpu.memory_space<semaphore_mem>>) src(%arg9 : memref<16xf32, #tpu.memory_space<vmem>>) dst(%dma_wait3A_85 : memref<16xf32, #tpu.memory_space<hbm>>)
      tpu.yield
    }) : () -> ()
    return
  }
}

</mosaic_0001>

<sc_bundles>
// kernel: kernel.3.cloned.1.call-start
scs
__scs_entry_jumppad:
0x0: {  	(pc) =	sbr.rel $0x88, $3  }
0x1: {  	(tag) =	ssettag $0x0;
	lr =	simm.s32 $0x1  }
0x2: {  	[smem:$0x3F9D] =	sst lr;
	_ =	strace $0xD0000000  }
0x3: {  	_ = 	snop  }
0x4: {  	_ = 	snop  }
0x5: {  	_ = 	snop  }
0x6: {  	_ = 	snop  }
0x7: {  	_ = 	snop  }
__scs_overlays_trampoline_lowered:
0x8: {  	[smem:$0x3FAC] =	sst s0  }
0x9: {  	[smem:$0x3FAD] =	sst s1  }
0xa: {  	[smem:$0x3FAE] =	sst s2  }
0xb: {  	[smem:$0x3FAF] =	sst s3  }
0xc: {  	[smem:$0x3FB0] =	sst s4  }
0xd: {  	[smem:$0x3FB1] =	sst s5  }
0xe: {  	[smem:$0x3FB2] =	sst s6  }
0xf: {  	[smem:$0x3FB3] =	sst s7  }
0x10: {  	[smem:$0x3FB4] =	sst s8  }
0x11: {  	[smem:$0x3FB5] =	sst s9;
	s0 =	simm.s32 @!p0 $0x0  }
0x12: {  	s1 =	sld [smem:$0x3F9B];
	s0 =	simm.s32 @p0 $0x1  }
0x13: {  	[smem:$0x3FB6] =	sst s0;
	s0 =	simm.s32 @!p1 $0x0  }
0x14: {  	s2 =	sld [smem:$0x3F9A];
	s0 =	simm.s32 @p1 $0x1  }
0x15: {  	[smem:$0x3FB7] =	sst s0;
	s0 =	simm.s32 @!p2 $0x0  }
0x16: {  	s3 =	sld [smem:$0x3FDB];
	s0 =	simm.s32 @p2 $0x1  }
0x17: {  	s4 =	simm.s32 $0x1BF5;
	[smem:$0x3FB9] =	sst s0  }
0x18: {  	s0 =	sld [smem:$0x3F9C];
	_ =	swait.ge [sflag:s4], $0x0  }
0x19: {  	s7 =	sld [smem:$0x3F9D]  }
0x1a: {  	s8 =	sadd.s32 $0xFFFFE003, lr  }
0x1b: {  	s9 =	sadd.s32 $0xFFFFFEF7, lr;
	s5 =	simm.s32 $0xFFFFFFFF;
	p2 =	slt.u32 s8, $0xFFFFF086  }
0x1c: {  	p1 =	slt.u32 s9, $0xF7A;
	s5 =	simm.s32 @!p2 $0x0  }
0x1d: {  	s5 =	simm.s32 @p1 $0x1;
	p0 =	seq.s32 s7, s2  }
0x1e: {  	s7 =	smul.u32 @!p0 $0xF7A, s2;
	p2 =	seq.s32 @!p0 s5, $0x0  }
0x1f: {  	s9 =	smul.u32 $0xF7A, s1;
	s8 =	simm.s32 @!p0 $0x1BF5;
	p2 =	por !p2, p0  }
0x20: {  	[sflag:s8] =	ssyncset.s32 @!p0 $0xFFFFF086;
	s6 =	sadd.s32 @!p0 s3, s7;
	s7 =	simm.s32 @!p0 $0x108  }
0x21: {  	s3 =	sadd.s32 s3, s9;
	s6 =	sadd.s32 @!p0 $0x88, s6;
	s7 =	simm.s32 @p2 $0x1082  }
0x22: {  	[simem:s7], [sflag:s8] =	dma.local @!p0 [hbm:s6], $0xF7A  }
0x23: {  	s9 =	sor.u32 $0xD0000000, s2;
	s6 =	simm.s32 $0x108;
	_ =	swait.ge @!p0 [sflag:s8], $0x0  }
0x24: {  	s3 =	sadd.s32 $0x88, s3;
	s6 =	simm.s32 @!p1 $0x1082;
	[sflag:s4] =	ssyncset.s32 $0xFFFFF086  }
0x25: {  	[simem:s6], [sflag:s4] =	dma.local [hbm:s3], $0xF7A  }
0x26: {  	[smem:$0x3F9D] =	sst s1;
	(tag) =	ssettag s2;
	_ =	strace s9  }
0x27: {  	s1 =	sld [smem:$0x3FAD]  }
0x28: {  	s2 =	sld [smem:$0x3FAE]  }
0x29: {  	s4 =	sld [smem:$0x3FB0]  }
0x2a: {  	p0 =	seq.s32 s5, $0x0;
	s5 =	sld [smem:$0x3FB1]  }
0x2b: {  	s6 =	sld [smem:$0x3FB2]  }
0x2c: {  	s7 =	sld [smem:$0x3FB3]  }
0x2d: {  	s3 =	simm.s32 $0x108;
	s8 =	sld [smem:$0x3FB4]  }
0x2e: {  	s3 =	simm.s32 @!p0 $0x1082;
	s9 =	sld [smem:$0x3FB5]  }
0x2f: {  	lr =	sadd.s32 s0, s3;
	s0 =	sld [smem:$0x3FAC]  }
0x30: {  	s3 =	sld [smem:$0x3FAF]  }
0x31: {  	[smem:$0x3FB8] =	sst s10  }
0x32: {  	s10 =	sld [smem:$0x3FB6];
	_ =	sdelay $0x3  }
0x33: {  	p0 =	seq.s32 s10, $0x1;
	s10 =	sld [smem:$0x3FB8];
	_ =	sdelay $0x3  }
0x34: {  	[smem:$0x3FB8] =	sst s10  }
0x35: {  	s10 =	sld [smem:$0x3FB7];
	_ =	sdelay $0x3  }
0x36: {  	p1 =	seq.s32 s10, $0x1;
	s10 =	sld [smem:$0x3FB8];
	_ =	sdelay $0x3  }
0x37: {  	[smem:$0x3FB8] =	sst s10  }
0x38: {  	s10 =	sld [smem:$0x3FB9]  }
0x39: {  	_ = 	snop;
	(pc) =	sbr.ind lr, $3  }
0x3a: {  	_ = 	snop  }
0x3b: {  	_ = 	snop  }
0x3c: {  	p2 =	seq.s32 s10, $0x1;
	s10 =	sld [smem:$0x3FB8]  }
0x3d: {  	_ =	shalt  }
0x3e: {  	_ =	shalt  }
0x3f: {  	_ =	shalt  }
0x40: {  	_ =	shalt  }
0x41: {  	_ =	shalt  }
0x42: {  	_ =	shalt  }
0x43: {  	_ =	shalt  }
0x44: {  	_ =	shalt  }
0x45: {  	_ =	shalt  }
0x46: {  	_ =	shalt  }
0x47: {  	_ =	shalt  }
0x48: {  	_ =	shalt  }
0x49: {  	_ =	shalt  }
0x4a: {  	_ =	shalt  }
0x4b: {  	_ =	shalt  }
0x4c: {  	_ =	shalt  }
0x4d: {  	_ =	shalt  }
0x4e: {  	_ =	shalt  }
0x4f: {  	_ =	shalt  }
0x50: {  	_ =	shalt  }
0x51: {  	_ =	shalt  }
0x52: {  	_ =	shalt  }
0x53: {  	_ =	shalt  }
0x54: {  	_ =	shalt  }
0x55: {  	_ =	shalt  }
0x56: {  	_ =	shalt  }
0x57: {  	_ =	shalt  }
0x58: {  	_ =	shalt  }
0x59: {  	_ =	shalt  }
0x5a: {  	_ =	shalt  }
0x5b: {  	_ =	shalt  }
0x5c: {  	_ =	shalt  }
0x5d: {  	_ =	shalt  }
0x5e: {  	_ =	shalt  }
0x5f: {  	_ =	shalt  }
0x60: {  	_ =	shalt  }
0x61: {  	_ =	shalt  }
0x62: {  	_ =	shalt  }
0x63: {  	_ =	shalt  }
0x64: {  	_ =	shalt  }
0x65: {  	_ =	shalt  }
0x66: {  	_ =	shalt  }
0x67: {  	_ =	shalt  }
0x68: {  	_ =	shalt  }
0x69: {  	_ =	shalt  }
0x6a: {  	_ =	shalt  }
0x6b: {  	_ =	shalt  }
0x6c: {  	_ =	shalt  }
0x6d: {  	_ =	shalt  }
0x6e: {  	_ =	shalt  }
0x6f: {  	_ =	shalt  }
0x70: {  	_ =	shalt  }
0x71: {  	_ =	shalt  }
0x72: {  	_ =	shalt  }
0x73: {  	_ =	shalt  }
0x74: {  	_ =	shalt  }
0x75: {  	_ =	shalt  }
0x76: {  	_ =	shalt  }
0x77: {  	_ =	shalt  }
0x78: {  	_ =	shalt  }
0x79: {  	_ =	shalt  }
0x7a: {  	_ =	shalt  }
0x7b: {  	_ =	shalt  }
0x7c: {  	_ =	shalt  }
0x7d: {  	_ =	shalt  }
0x7e: {  	_ =	shalt  }
0x7f: {  	_ =	shalt  }
0x80: {  	_ =	shalt  }
0x81: {  	_ =	shalt  }
0x82: {  	_ =	shalt  }
0x83: {  	_ =	shalt  }
0x84: {  	_ =	shalt  }
0x85: {  	_ =	shalt  }
0x86: {  	_ =	shalt  }
0x87: {  	_ =	shalt  }
.Lfunc_end0:
.L_simem_size_0:
called_computation_lowered:
.L_overlay_start_0:
0x88: {  	s2 =	sld [smem:$0x3FD9]  }
0x89: {  	s3 =	sld [smem:$0x3FFE];
	_ =	sdelay $0x1  }
0x8a: {  	s1 =	srdreg.scid  }
0x8b: {  	s0 =	sand.u32 $0x1, s1  }
0x8c: {  	s17 =	sshll.u32 s0, $0xA;
	s2 =	sadd.s32 s3, s2  }
0x8d: {  	s2 =	sadd.s32 s2, s17  }
0x8e: {  	[smem:$0x3FC4] =	sst s2  }
0x8f: {  	_ = 	snop  }
0x90: {  	s2 =	sld [smem:$0x3FC9];
	(tm) =	ssettm $0x1  }
0x91: {  	s18 =	sld [smem:$0x3FFB];
	_ =	sdelay $0x3  }
0x92: {  	_ =	strace s18  }
0x93: {  	s3 =	sld [smem:$0x3FFC];
	_ =	sdelay $0x3  }
0x94: {  	_ =	strace s3  }
0x95: {  	s3 =	sld [smem:$0x3FFD];
	_ =	sdelay $0x3  }
0x96: {  	_ =	strace s3  }
0x97: {  	_ =	strace $0x8FFFFFFF  }
0x98: {  	s19 =	sld [smem:$0x3FDB];
	_ =	sdelay $0x1  }
0x99: {  	s4 =	simm.s32 $_scs_section_size  }
0x9a: {  	s5 =	simm.s32 $_size__tile_overlayer_lowered;
	s6 =	simm.s32 $_tile_overlayer_lowered  }
0x9b: {  	s22 =	simm.s32 $0x1BFF;
	s21 =	sshll.u32 s6, $0x1;
	s3 =	sadd.s32 s4, s19  }
0x9c: {  	s7 =	simm.s32 $0x0;
	s20 =	sshll.u32 s5, $0x1;
	s5 =	sadd.s32 s21, s3  }
0x9d: {  	[timem:s7], [sflag:s22] =	dma.local [hbm:s5], s20  }
0x9e: {  	_ =	swait.ge [sflag:s22], s20  }
0x9f: {  	s4 =	ssub.s32 $0x0, s20;
	[sflag:s22] =	ssyncset.done $0x0  }
0xa0: {  	[sflag:s22] =	ssyncadd.s32 s4;
	_ =	sdelay $0x1  }
0xa1: {  	s23 =	simm.s32 $0x1B8B  }
0xa2: {  	_ =	swait.ge [sflag:s23], $0x1  }
0xa3: {  	[sflag:s23] =	ssyncset.done $0x0  }
0xa4: {  	s25 =	simm.s32 $0x1B8E;
	s24 =	sld [smem:$0x3FFE];
	[sflag:s23] =	ssyncadd.s32 $0xFFFFFFFF  }
0xa5: {  	s26 =	simm.s32 $execute0_lowered;
	[smem:$0x3FD2] =	sst s25  }
0xa6: {  	s5 =	sshll.u32 s26, $0x1;
	_ =	strace $0x80000046;
	[dreg:$0x1] =	wrdreg $0xFFFFFFFF  }
0xa7: {  	s28 =	simm.s32 $_size_execute0_lowered;
	s3 =	sadd.s32 s3, s5;
	[dreg:$0x0] =	wrdreg $0x0  }
0xa8: {  	s5 =	sshll.u32 s28, $0x1;
	[dreg:$0x2] =	wrdreg s3  }
0xa9: {  	[dreg:$0x3] =	wrdreg s5  }
0xaa: {  	[dreg:$0x4] =	wrdreg $0xC0  }
0xab: {  	_ =	task [dreg:s7], $0x5FFFF  }
0xac: {  	[dreg:$0x1] =	wrdreg $0xFFFFFFFF  }
0xad: {  	[dreg:$0x0] =	wrdreg $0x60  }
0xae: {  	[dreg:$0x2] =	wrdreg s2  }
0xaf: {  	[dreg:$0x3] =	wrdreg s24  }
0xb0: {  	[dreg:$0x4] =	wrdreg $0x9  }
0xb1: {  	_ =	task.clear_ibuf [dreg:s7], $0x5FFFF;
	_ =	strace $0x90000046  }
0xb2: {  	s29 =	simm.s32 $0x9;
	_ =	strace $0x80000048  }
0xb3: {  	_ =	swait.ge [sflag:s29], $0x1  }
0xb4: {  	[sflag:s29] =	ssyncadd.s32 $0xFFFFFFFF  }
0xb5: {  	_ =	strace $0x90000048  }
0xb6: {  	_ =	sfence  }
0xb7: {  	s30 =	sld [smem:$0x0];
	_ =	sdelay $0x2  }
0xb8: {  	s31 =	sshll.u32 s1, $0xD;
	s1 =	sshrl.u32 s1, $0x2  }
0xb9: {  	s3 =	sand.u32 $0x4000, s31;
	s1 =	sadd.s32 s1, s30  }
0xba: {  	s0 =	sor.u32 s3, s0;
	s1 =	sshll.u32 s1, $0x11  }
0xbb: {  	s0 =	sor.u32 s1, s0  }
0xbc: {  	s0 =	sadd.s32 $0x8F2B, s0  }
0xbd: {  	[sflag:s0] =	ssyncadd.remote.s32 $0x1  }
0xbe: {  	_ =	sfence.sel $0xFFFF  }
0xbf: {  	[dreg:$0x0] =	wrdreg $0xFFFFFFFF;
	(pc) =	sbr.abs _section_cstart, $3  }
0xc0: {  	[dreg:$0x1] =	wrdreg $0xFFFFFFFF  }
0xc1: {  	_ =	task.clear_ibuf [dreg:s7], $0x2FFFF;
	_ =	strace $0x9FFFFFFF  }
0xc2: {  	(tm) =	ssettm $0x7FFFFFFF  }
0xc3: {  	_ =	shalt  }
tec
execute0_lowered:
.L_overlay_start_1:
0x0: {  	(tag) =	ssettag $0x1  }
0x1: {  	s0 =	stileid.u32;
	s8 =	rddreg [dreg:$0x0]  }
0x2: {  	s1 =	srdreg.scid;
	s10 =	rddreg [dreg:$0x1];
	s5 =	sshrl.u32 s0, $0x2  }
0x3: {  	s3 =	sand.u32 $0x1, s1;
	s28 =	sshll.u32 s0, $0x1;
	s7 =	smul.u32 $0xC000, s5  }
0x4: {  	s2 =	simm.s32 $0x0;
	s4 =	sor.u32 s3, s28;
	s11 =	smul.u32 $0x6000, s5  }
0x5: {  	s1 =	rddreg [dreg:$0x2];
	s5 =	smul.u32 $0x3B0, s5;
	s6 =	sand.u32 $0x7, s4  }
0x6: {  	s13 =	simm.s32 $0x0;
	[smem:$0x7FF] =	sst s2;
	s9 =	smul.u32 $0x1800, s6  }
0x7: {  	_ =	strace $0x80000047;
	s3 =	ssub.s32 $0x2, s3;
	s12 =	smul.u32 $0xC00, s6  }
0x8: {  	s4 =	sshll.u32 s4, $0x4;
	s30 =	sshrl.u32 s3, $0x1;
	s31 =	smul.u32 $0x140, s6  }
0x9: {  	s7 =	sadd.s32 s7, s9;
	s29 =	sadd.s32 s11, s12;
	s11 =	ssub.s32 s3, s30  }
0xa: {  	s3 =	sadd.s32 s8, s5;
	s8 =	simm.s32 $0x1D80;
	s7 =	sshrl.u32 s7, $0x3  }
0xb: {  	s12 =	simm.s32 $0x2;
	s9 =	sshrl.u32 s29, $0x3;
	s7 =	sadd.s32 s7, s10  }
0xc: {  	s9 =	sadd.s32 s9, s10;
	s10 =	sadd.s32 s4, s10;
	s4 =	sadd.s32 $0x400, s7  }
0xd: {  	v0 =	vlaneseq.u32;
	s5 =	sadd.s32 $0x6400, s9;
	s6 =	sadd.s32 $0x9400, s10;
	s7 =	smax.u32 s11, $0x1  }
0xe: {  	v0 =	vor.u32 s31, v0;
	s9 =	simm.s32 $0x3580;
	s10 =	simm.s32 $0x1;
	s11 =	simm.s32 $0x4180  }
.LBB2_1:
0xf: {  	[tilespmem:s2], [sflag:$0x1] =	stream.linear.gather [hbm4b:s3+s2], $0x1D80, $0x38;
	[tilespmem:$0x4200] =	vst v63  }
0x10: {  	_ = 	snop  }
0x11: {  	[tilespmem:s8], [sflag:$0x1] =	stream.linear.gather [hbm4b:s4+s2], $0x1800, $0x38;
	[tilespmem:$0x4200] =	vst v63  }
0x12: {  	_ = 	snop  }
0x13: {  	[tilespmem:s9], [sflag:$0x1] =	stream.linear.gather [hbm4b:s5+s2], $0xC00, $0x38;
	[tilespmem:$0x4200] =	vst v63  }
0x14: {  	_ =	swait.ge [sflag:s10], $0x1D80  }
0x15: {  	[sflag:s10] =	ssyncset.done $0x0  }
0x16: {  	[sflag:s10] =	ssyncadd.s32 $0xFFFFE280  }
0x17: {  	_ =	swait.ge [sflag:s10], $0x1800  }
0x18: {  	[sflag:s10] =	ssyncset.done $0x0  }
0x19: {  	[sflag:s10] =	ssyncadd.s32 $0xFFFFE800  }
0x1a: {  	s14 =	simm.s32 $0x10;
	_ =	swait.ge [sflag:s10], $0xC00  }
0x1b: {  	s16 =	sand.u32 $0xC00, s2;
	s17 =	sand.u32 $0x70, s14;
	[sflag:s10] =	ssyncset.done $0x0  }
0x1c: {  	s18 =	sor.u32 s16, s17;
	[sflag:s10] =	ssyncadd.s32 $0xFFFFF400  }
0x1d: {  	v1 =	vld [tilespmem:s18+$0x3680]  }
0x1e: {  	v2 =	vld [tilespmem:s18+$0x3800]  }
0x1f: {  	s15 =	simm.s32 $0x0;
	v3 =	vld [tilespmem:s18+$0x3580]  }
0x20: {  	s19 =	sand.u32 $0x60, s15;
	v5 =	vld [tilespmem:s18+$0x3600]  }
0x21: {  	s20 =	sor.u32 s19, s16;
	v8 =	vld [tilespmem:s18+$0x3780]  }
0x22: {  	v6 =	vld [tilespmem:s20+$0x3680]  }
0x23: {  	v7 =	vld [tilespmem:s20+$0x3800]  }
0x24: {  	v9 =	vld [tilespmem:s20+$0x3580]  }
0x25: {  	v10 =	vld [tilespmem:s20+$0x3600]  }
0x26: {  	v11 =	vld [tilespmem:s20+$0x3780]  }
0x27: {  	v4 =	vld [tilespmem:s18+$0x1D80]  }
0x28: {  	v16 =	vld [tilespmem:s18+$0x1E00]  }
0x29: {  	v17 =	vld [tilespmem:s18+$0x1E80]  }
0x2a: {  	s21 =	sor.u32 s14, s2;
	v29 =	vld [tilespmem:s18+$0x1F80]  }
0x2b: {  	s24 =	sor.u32 $0x380, s21;
	v34 =	vld [tilespmem:s18+$0x2000]  }
0x2c: {  	v35 =	vld [tilespmem:s24+$0x1D80]  }
0x2d: {  	v36 =	vld [tilespmem:s20+$0x1D80]  }
0x2e: {  	v37 =	vld [tilespmem:s20+$0x1E00]  }
0x2f: {  	v38 =	vld [tilespmem:s20+$0x1E80]  }
0x30: {  	s29 =	sadd.s32 $0x2980, s16;
	v39 =	vld [tilespmem:s20+$0x1F80]  }
0x31: {  	s22 =	sadd.s32 $0x2A00, s16;
	s23 =	sor.u32 s17, s29;
	v14 =	vld [tilespmem:s20+$0x2000]  }
0x32: {  	s30 =	sor.u32 s17, s22;
	v18 =	vld [tilespmem:s23+$0x0]  }
0x33: {  	s25 =	sor.u32 s15, s2;
	s21 =	sor.u32 s19, s29;
	v19 =	vld [tilespmem:s30+$0x0]  }
0x34: {  	s28 =	sor.u32 s15, s16;
	s18 =	sor.u32 $0x380, s25;
	v23 =	vld [tilespmem:s21+$0x0]  }
0x35: {  	s20 =	sor.u32 $0x180, s28;
	v15 =	vld [tilespmem:s18+$0x1D80]  }
0x36: {  	s23 =	sor.u32 s19, s22;
	v13 =	vld [tilespmem:s20+$0x3580]  }
0x37: {  	s26 =	sor.u32 s14, s16;
	v24 =	vld [tilespmem:s23+$0x0]  }
0x38: {  	s24 =	sadd.s32 $0x2A80, s16;
	s18 =	sor.u32 $0x180, s26;
	v32 =	vld [tilespmem:s20+$0x1D80]  }
0x39: {  	s16 =	sadd.s32 $0x2B00, s16;
	s31 =	sor.u32 s17, s24;
	v12 =	vld [tilespmem:s18+$0x3580]  }
0x3a: {  	s17 =	sor.u32 s17, s16;
	v20 =	vld [tilespmem:s31+$0x0]  }
0x3b: {  	s25 =	sand.u32 $0x7, s2;
	s24 =	sor.u32 s19, s24;
	s26 =	sand.u32 $0x3, s2;
	v22 =	vld [tilespmem:s17+$0x0]  }
0x3c: {  	s16 =	sor.u32 s19, s16;
	s28 =	sshll.u32 s25, $0x4;
	v27 =	vld [tilespmem:s24+$0x0];
	s29 =	sshll.u32 s26, $0x5  }
0x3d: {  	v30 =	vld [tilespmem:s16+$0x0];
	s30 =	sadd.s32 $0x0, s28;
	s31 =	sadd.s32 $0x0, s29  }
0x3e: {  	v21 =	vld [tilespmem:s18+$0x1D80];
	s16 =	sadd.s32 $0x10, s30;
	s17 =	sor.u32 $0x300, s31  }
0x3f: {  	s16 =	sor.u32 $0x300, s16;
	v33 =	vld [tilespmem:s17+$0x1D80]  }
0x40: {  	v25 =	vld [tilespmem:s16+$0x1D80]  }
0x41: {  	v26 =	vld.idx.msk [tilespmem:v4+s2+$0x0], $0xffff  }
0x42: {  	v28 =	vld.idx.msk [tilespmem:v16+s2+$0x0], $0xffff  }
0x43: {  	v16 =	vld.idx.msk [tilespmem:v17+s2+$0x0], $0xffff  }
0x44: {  	v31 =	vld.idx.msk [tilespmem:v29+s2+$0x0], $0xffff  }
0x45: {  	v34 =	vld.idx.msk [tilespmem:v34+s2+$0x0], $0xffff  }
0x46: {  	v17 =	vld.idx.msk [tilespmem:v35+s2+$0x0], $0xffff  }
0x47: {  	v35 =	vld.idx.msk [tilespmem:v36+s2+$0x0], $0xffff  }
0x48: {  	v36 =	vld.idx.msk [tilespmem:v37+s2+$0x0], $0xffff  }
0x49: {  	s19 =	simm.s32 $0x0;
	v29 =	vld.idx.msk [tilespmem:v38+s2+$0x0], $0xffff  }
0x4a: {  	s18 =	simm.s32 $0x0;
	s16 =	simm.s32 $0x30;
	s17 =	simm.s32 $0x0;
	v4 =	vimm.f32 $0.0e+00;
	v37 =	vld.idx.msk [tilespmem:v39+s2+$0x0], $0xffff  }
.LBB2_2:
0x4b: {  	p0 =	sne.s32 s16, $0x130;
	v14 =	vld.idx.msk [tilespmem:v14+s2+$0x0], $0xffff  }
0x4c: {  	v15 =	vld.idx.msk [tilespmem:v15+s2+$0x0], $0xffff  }
0x4d: {  	v18 =	vld.idx.msk [tilespmem:v18+s2+$0x0], $0xffff  }
0x4e: {  	v19 =	vld.idx.msk [tilespmem:v19+s2+$0x0], $0xffff  }
0x4f: {  	v20 =	vld.idx.msk [tilespmem:v20+s2+$0x0], $0xffff  }
0x50: {  	v22 =	vld.idx.msk [tilespmem:v22+s2+$0x0], $0xffff  }
0x51: {  	v23 =	vld.idx.msk [tilespmem:v23+s2+$0x0], $0xffff  }
0x52: {  	v24 =	vld.idx.msk [tilespmem:v24+s2+$0x0], $0xffff  }
0x53: {  	v27 =	vld.idx.msk [tilespmem:v27+s2+$0x0], $0xffff  }
0x54: {  	v10 =	vsub.f32 v10, v11;
	v11 =	vsub.f32 v5, v8;
	v30 =	vld.idx.msk [tilespmem:v30+s2+$0x0], $0xffff  }
0x55: {  	v13 =	vsub.f32 v9, v13;
	v12 =	vsub.f32 v3, v12;
	v5 =	vld.idx.msk [tilespmem:v32+s2+$0x0], $0xffff  }
0x56: {  	s17 =	sadd.s32 $0x100, s17;
	v32 =	vsub.f32 v6, v7;
	v8 =	vld.idx.msk [tilespmem:v33+s2+$0x0], $0xffff;
	v33 =	vsub.f32 v1, v2  }
0x57: {  	s20 =	sand.u32 $0x70, s16;
	s21 =	sand.u32 $0xC00, s17;
	v38 =	vadd.f32 v10, v13;
	v6 =	vld.idx.msk [tilespmem:v21+s2+$0x0], $0xffff;
	v21 =	vadd.f32 v11, v12  }
0x58: {  	v9 =	vadd.f32 v28, v26;
	s24 =	sor.u32 s21, s20;
	v7 =	vld.idx.msk [tilespmem:v25+s2+$0x0], $0xffff;
	v25 =	vadd.f32 v34, v31  }
0x59: {  	v26 =	vadd.f32 v36, v35;
	v14 =	vadd.f32 v14, v37;
	v1 =	vld [tilespmem:s24+$0x3680]  }
0x5a: {  	v18 =	vadd.f32 v19, v18;
	v19 =	vadd.f32 v22, v20;
	v2 =	vld [tilespmem:s24+$0x3800]  }
0x5b: {  	s25 =	sadd.s32 $0xFFFFFFF0, s16;
	v22 =	vadd.f32 v24, v23;
	v20 =	vadd.f32 v5, v29;
	v3 =	vld [tilespmem:s24+$0x3580]  }
0x5c: {  	s22 =	sand.u32 $0x60, s25;
	v23 =	vadd.f32 v30, v27;
	v15 =	vadd.f32 v15, v8;
	v5 =	vld [tilespmem:s24+$0x3600]  }
0x5d: {  	s23 =	sor.u32 s22, s21;
	v20 =	vadd.f32 v20, v26;
	v16 =	vadd.f32 v6, v16;
	v8 =	vld [tilespmem:s24+$0x3780]  }
0x5e: {  	v14 =	vadd.f32 v15, v14;
	v15 =	vadd.f32 v17, v7;
	v6 =	vld [tilespmem:s23+$0x3680]  }
0x5f: {  	v17 =	vadd.f32 v23, v22;
	v22 =	vmul.f32 v11, v11;
	v16 =	vadd.f32 v16, v9;
	v7 =	vld [tilespmem:s23+$0x3800]  }
0x60: {  	v14 =	vadd.f32 v14, v20;
	v20 =	vmul.f32 v10, v10;
	v15 =	vadd.f32 v15, v25;
	v9 =	vld [tilespmem:s23+$0x3580]  }
0x61: {  	v13 =	vmul.f32 v13, v13;
	v18 =	vadd.f32 v19, v18;
	v23 =	vadd.f32 v32, v38;
	v10 =	vld [tilespmem:s23+$0x3600]  }
0x62: {  	v14 =	vadd.f32 v17, v14;
	v17 =	vmul.f32 v32, v32;
	v15 =	vadd.f32 v15, v16;
	v11 =	vld [tilespmem:s23+$0x3780]  }
0x63: {  	v12 =	vmul.f32 v12, v12;
	v19 =	vadd.f32 v33, v21;
	v13 =	vadd.f32 v20, v13;
	v16 =	vld [tilespmem:s24+$0x1D80]  }
0x64: {  	v20 =	vmul.f32 $6.666666860e-01, v23;
	v14 =	vmul.f32 $8.333333580e-02, v14;
	v15 =	vadd.f32 v18, v15;
	v28 =	vld [tilespmem:s24+$0x1E00]  }
0x65: {  	v12 =	vadd.f32 v22, v12;
	v13 =	vadd.f32 v17, v13;
	v17 =	vmul.f32 v33, v33;
	v29 =	vld [tilespmem:s24+$0x1E80]  }
0x66: {  	s26 =	sor.u32 s16, s17;
	v19 =	vmul.f32 $6.666666860e-01, v19;
	v18 =	vadd.f32 v20, v14;
	v15 =	vmul.f32 $8.333333580e-02, v15;
	v31 =	vld [tilespmem:s24+$0x1F80]  }
0x67: {  	v12 =	vadd.f32 v17, v12;
	v34 =	vld [tilespmem:s24+$0x2000];
	s24 =	sor.u32 $0x380, s26  }
0x68: {  	v13 =	vmul.f32 $3.333333430e-01, v13;
	v14 =	vmul.f32 v18, v14;
	v18 =	vadd.f32 v19, v15;
	v17 =	vld [tilespmem:s24+$0x1D80]  }
0x69: {  	v19 =	vadd.s32 s15, v0;
	s15 =	smov.u32 s25;
	v35 =	vld [tilespmem:s23+$0x1D80]  }
0x6a: {  	v12 =	vmul.f32 $3.333333430e-01, v12;
	v13 =	vadd.f32 v14, v13;
	v14 =	vmul.f32 v18, v15;
	v36 =	vld [tilespmem:s23+$0x1E00]  }
0x6b: {  	vm0 =	vlt.u32 v19, $0x9C4;
	v37 =	vld [tilespmem:s23+$0x1E80]  }
0x6c: {  	s24 =	sor.u32 s15, s17;
	v15 =	vadd.s32 s14, v0;
	s14 =	smov.u32 s16;
	v13 =	vnsel vm0, $0x0, v13;
	v12 =	vadd.f32 v14, v12;
	v38 =	vld [tilespmem:s23+$0x1F80]  }
0x6d: {  	vm0 =	vlt.u32 v15, $0x9C4;
	v4 =	vadd.f32 v13, v4;
	v14 =	vld [tilespmem:s23+$0x2000];
	s23 =	sor.u32 $0x380, s24;
	s24 =	sor.u32 s16, s21  }
0x6e: {  	s25 =	sor.u32 s15, s21;
	v13 =	vnsel vm0, $0x0, v12;
	v15 =	vld [tilespmem:s23+$0x1D80];
	s23 =	sor.u32 $0x180, s24  }
0x6f: {  	s24 =	sor.u32 $0x180, s25;
	s25 =	sadd.s32 $0x2980, s21;
	v4 =	vadd.f32 v13, v4;
	v12 =	vld [tilespmem:s23+$0x3580]  }
0x70: {  	s26 =	sadd.s32 $0x2A00, s21;
	s28 =	sor.u32 s20, s25;
	v13 =	vld [tilespmem:s24+$0x3580]  }
0x71: {  	s29 =	sadd.s32 $0x2A80, s21;
	v18 =	vld [tilespmem:s28+$0x0];
	s28 =	sor.u32 s20, s26  }
0x72: {  	s21 =	sadd.s32 $0x2B00, s21;
	v19 =	vld [tilespmem:s28+$0x0];
	s28 =	sor.u32 s20, s29  }
0x73: {  	s20 =	sor.u32 s20, s21;
	v20 =	vld [tilespmem:s28+$0x0]  }
0x74: {  	s25 =	sor.u32 s22, s25;
	v22 =	vld [tilespmem:s20+$0x0]  }
0x75: {  	s20 =	sor.u32 s22, s26;
	v23 =	vld [tilespmem:s25+$0x0]  }
0x76: {  	s18 =	sadd.s32 $0x2, s18;
	s19 =	sadd.s32 $0x1, s19;
	v24 =	vld [tilespmem:s20+$0x0];
	s20 =	sor.u32 s22, s29  }
0x77: {  	s26 =	sand.u32 $0x3, s19;
	s25 =	sand.u32 $0x7, s18;
	v27 =	vld [tilespmem:s20+$0x0];
	s20 =	sor.u32 s22, s21  }
0x78: {  	s21 =	sshll.u32 s25, $0x4;
	s22 =	sshll.u32 s26, $0x5;
	v30 =	vld [tilespmem:s20+$0x0]  }
0x79: {  	s20 =	sadd.s32 s17, s21;
	s21 =	sadd.s32 s22, s17;
	v21 =	vld [tilespmem:s23+$0x1D80]  }
0x7a: {  	s21 =	sor.u32 $0x300, s21;
	s20 =	sadd.s32 $0x10, s20;
	v32 =	vld [tilespmem:s24+$0x1D80]  }
0x7b: {  	s20 =	sor.u32 $0x300, s20;
	v33 =	vld [tilespmem:s21+$0x1D80]  }
0x7c: {  	v25 =	vld [tilespmem:s20+$0x1D80]  }
0x7d: {  	v26 =	vld.idx.msk [tilespmem:v16+s2+$0x0], $0xffff  }
0x7e: {  	v28 =	vld.idx.msk [tilespmem:v28+s2+$0x0], $0xffff  }
0x7f: {  	v16 =	vld.idx.msk [tilespmem:v29+s2+$0x0], $0xffff  }
0x80: {  	v31 =	vld.idx.msk [tilespmem:v31+s2+$0x0], $0xffff  }
0x81: {  	v34 =	vld.idx.msk [tilespmem:v34+s2+$0x0], $0xffff  }
.Ltmp0:
0x82: {  	v17 =	vld.idx.msk [tilespmem:v17+s2+$0x0], $0xffff;
	(pc) =	sbr.rel @p0 .LBB2_2-.Ltmp0, $4  }
0x83: {  	v35 =	vld.idx.msk [tilespmem:v35+s2+$0x0], $0xffff  }
0x84: {  	v36 =	vld.idx.msk [tilespmem:v36+s2+$0x0], $0xffff  }
0x85: {  	v29 =	vld.idx.msk [tilespmem:v37+s2+$0x0], $0xffff  }
0x86: {  	s16 =	sadd.s32 $0x20, s16;
	v37 =	vld.idx.msk [tilespmem:v38+s2+$0x0], $0xffff  }
0x87: {  	_ =	sdelay $0x3  }
0x88: {  	v14 =	vld.idx.msk [tilespmem:v14+s2+$0x0], $0xffff  }
0x89: {  	v15 =	vld.idx.msk [tilespmem:v15+s2+$0x0], $0xffff  }
0x8a: {  	v18 =	vld.idx.msk [tilespmem:v18+s2+$0x0], $0xffff  }
0x8b: {  	v19 =	vld.idx.msk [tilespmem:v19+s2+$0x0], $0xffff  }
0x8c: {  	v20 =	vld.idx.msk [tilespmem:v20+s2+$0x0], $0xffff  }
0x8d: {  	v22 =	vld.idx.msk [tilespmem:v22+s2+$0x0], $0xffff  }
0x8e: {  	v23 =	vld.idx.msk [tilespmem:v23+s2+$0x0], $0xffff  }
0x8f: {  	v24 =	vld.idx.msk [tilespmem:v24+s2+$0x0], $0xffff  }
0x90: {  	v27 =	vld.idx.msk [tilespmem:v27+s2+$0x0], $0xffff  }
0x91: {  	v10 =	vsub.f32 v10, v11;
	v5 =	vsub.f32 v5, v8;
	v45 =	vld.idx.msk [tilespmem:v30+s2+$0x0], $0xffff  }
0x92: {  	v9 =	vsub.f32 v9, v13;
	v3 =	vsub.f32 v3, v12;
	v46 =	vld.idx.msk [tilespmem:v32+s2+$0x0], $0xffff  }
0x93: {  	v6 =	vsub.f32 v6, v7;
	v1 =	vsub.f32 v1, v2;
	v2 =	vld.idx.msk [tilespmem:v33+s2+$0x0], $0xffff  }
0x94: {  	v48 =	vld.idx.msk [tilespmem:v21+s2+$0x0], $0xffff;
	v49 =	vadd.f32 v28, v26;
	v50 =	vadd.f32 v34, v31  }
0x95: {  	v25 =	vld.idx.msk [tilespmem:v25+s2+$0x0], $0xffff;
	v47 =	vadd.f32 v10, v9;
	v12 =	vadd.f32 v5, v3  }
0x96: {  	v51 =	vadd.f32 v36, v35;
	v14 =	vadd.f32 v14, v37  }
0x97: {  	v18 =	vadd.f32 v19, v18;
	v52 =	vadd.f32 v22, v20  }
0x98: {  	v11 =	vadd.f32 v46, v29;
	v53 =	vadd.f32 v24, v23  }
0x99: {  	v2 =	vadd.f32 v15, v2;
	v8 =	vadd.f32 v45, v27  }
0x9a: {  	v13 =	vadd.f32 v48, v16;
	v54 =	vadd.f32 v17, v25  }
0x9b: {  	v11 =	vadd.f32 v11, v51;
	v2 =	vadd.f32 v2, v14  }
0x9c: {  	v5 =	vmul.f32 v5, v5;
	v8 =	vadd.f32 v8, v53;
	v13 =	vadd.f32 v13, v49  }
0x9d: {  	v10 =	vmul.f32 v10, v10;
	v55 =	vadd.f32 v54, v50;
	v2 =	vadd.f32 v2, v11  }
0x9e: {  	v9 =	vmul.f32 v9, v9;
	v7 =	vadd.f32 v6, v47;
	v56 =	vadd.f32 v52, v18  }
0x9f: {  	v3 =	vmul.f32 v3, v3;
	v57 =	vadd.f32 v55, v13;
	v2 =	vadd.f32 v8, v2  }
0xa0: {  	v6 =	vmul.f32 v6, v6;
	v9 =	vadd.f32 v10, v9;
	v58 =	vadd.f32 v1, v12  }
0xa1: {  	v7 =	vmul.f32 $6.666666860e-01, v7;
	v8 =	vadd.f32 v56, v57;
	v2 =	vmul.f32 $8.333333580e-02, v2  }
0xa2: {  	v3 =	vadd.f32 v5, v3;
	v1 =	vmul.f32 v1, v1;
	v6 =	vadd.f32 v6, v9  }
0xa3: {  	v61 =	vmul.f32 $6.666666860e-01, v58;
	v60 =	vmul.f32 $8.333333580e-02, v8;
	v59 =	vadd.f32 v7, v2  }
0xa4: {  	v1 =	vadd.f32 v1, v3  }
0xa5: {  	v3 =	vmul.f32 $3.333333430e-01, v6;
	v62 =	vadd.f32 v61, v60;
	v2 =	vmul.f32 v59, v2  }
0xa6: {  	v63 =	vadd.s32 s15, v0  }
0xa7: {  	v1 =	vmul.f32 $3.333333430e-01, v1;
	v2 =	vadd.f32 v2, v3;
	v3 =	vmul.f32 v62, v60  }
0xa8: {  	vm0 =	vlt.u32 v63, $0x9C4  }
0xa9: {  	v2 =	vnsel vm0, $0x0, v2;
	v1 =	vadd.f32 v3, v1;
	v3 =	vadd.s32 s14, v0  }
0xaa: {  	v2 =	vadd.f32 v2, v4;
	vm15 =	vlt.u32 v3, $0x9C4  }
0xab: {  	v1 =	vnsel vm15, $0x0, v1  }
0xac: {  	s13 =	sadd.s32 $0x1, s13;
	v1 =	vadd.f32 v1, v2  }
0xad: {  	p0 =	sne.s32 s13, s7  }
.Ltmp1:
0xae: {  	[tilespmem:$0x4180] =	vst v1;
	(pc) =	sbr.rel @p0 .LBB2_1-.Ltmp1, $4  }
0xaf: {  	[hbm4b:s6+s2] =	stream.linear.scatter [tilespmem:s11], [sflag:$0x2], $0x80, $0x38;
	[tilespmem:$0x4200] =	vst v63  }
0xb0: {  	_ =	swait.ge [sflag:s12], $0x80  }
0xb1: {  	[sflag:s12] =	ssyncset.done $0x0  }
0xb2: {  	[sflag:s12] =	ssyncadd.s32 $0xFFFFFF80  }
0xb3: {  	_ =	sfence.sel $0x180000  }
0xb4: {  	[bflag:$0x0] =	sbarrier.arrive $0xFFFF  }
0xb5: {  	p0 =	sne.s32 s0, $0x0;
	_ =	strace $0x90000047  }
0xb6: {  	s0 =	sadd.s32 @!p0 $0x100000, s1;
	[bflag:$0x2] =	sbarrier.arrive $0xFFFF  }
0xb7: {  	[sflag:s0] =	ssyncadd.tile.s32 @!p0 $0x1;
	_ =	shalt  }
.Lfunc_end2:
_tile_overlayer_lowered:
.L_overlay_start_2:
0xb8: {  	(tag) =	ssettag $0x2  }
0xb9: {  	s0 =	rddreg [dreg:$0x0];
	s2 =	stileid.u32  }
0xba: {  	s1 =	rddreg [dreg:$0x1];
	p0 =	sne.s32 s2, $0x0  }
0xbb: {  	s3 =	rddreg [dreg:$0x2];
	[bflag:$0x3] =	sbarrier.arrive $0xFFFF;
	s2 =	simm.s32 @!p0 $0x1C02  }
0xbc: {  	[timem:s3], [sflag:s2] =	dma.local @!p0 [hbm:s0], s1  }
0xbd: {  	s0 =	simm.s32 @!p0 $0x2  }
0xbe: {  	_ =	swait.ge @!p0 [sflag:s0], s1  }
0xbf: {  	s1 =	ssub.s32 @!p0 $0x0, s1;
	[sflag:s0] =	ssyncset.done @!p0 $0x0  }
0xc0: {  	[sflag:s0] =	ssyncadd.s32 @!p0 s1  }
0xc1: {  	[bflag:$0x3] =	sbarrier.arrive $0xFFFF  }
0xc2: {  	_ =	shalt  }

</sc_bundles>
